<compile_context>
chip_gen: v7x
topology: tpu7x:2x2x1
jax: 0.10.2.dev20260603
libtpu: 0.0.44.dev20260713+nightly
codegen_flags: <defaults>
</compile_context>

<pallas_src>
import functools

import jax
import jax.numpy as jnp
from jax import lax
from jax.experimental import pallas as pl
from jax.experimental.pallas import tpu as pltpu
from jax.experimental.pallas import tpu_sc as plsc

_SC_CORES = 2
_SC_SUBCORES = 16
_SC_WORKERS = _SC_CORES * _SC_SUBCORES


def _vq_block(z_ref, ets_ref, idx_ref, loss_ref, esq_ref):
    i = pl.program_id(0)
    K = ets_ref.shape[1]

    @pl.when(i == 0)
    def _():
        et2 = ets_ref[...]
        esq_ref[...] = 0.25 * jnp.sum(et2 * et2, axis=0, keepdims=True)
        loss_ref[...] = jnp.zeros_like(loss_ref)

    zb = z_ref[...]
    dot = jnp.dot(zb, ets_ref[...], preferred_element_type=jnp.float32)
    zsq = jnp.sum(zb * zb, axis=1, keepdims=True)
    dist = (zsq + dot) + esq_ref[...]
    minv = jnp.min(dist, axis=1, keepdims=True)
    iota = lax.broadcasted_iota(jnp.int32, dist.shape, 1)
    idx = jnp.min(jnp.where(dist == minv, iota, K), axis=1)
    idx_ref[0, 0, :] = idx
    loss_ref[...] += jnp.sum(minv).reshape(1, 1)


def _tc_argmin(flat, ets):
    N, D = flat.shape
    K = ets.shape[1]
    BLK = 512
    NB = N // BLK
    return pl.pallas_call(
        _vq_block,
        grid=(NB,),
        in_specs=[
            pl.BlockSpec((BLK, D), lambda i: (i, 0)),
            pl.BlockSpec((D, K), lambda i: (0, 0)),
        ],
        out_specs=[
            pl.BlockSpec((1, 1, BLK), lambda i: (i, 0, 0)),
            pl.BlockSpec((1, 1), lambda i: (0, 0)),
        ],
        out_shape=[
            jax.ShapeDtypeStruct((NB, 1, BLK), jnp.int32),
            jax.ShapeDtypeStruct((1, 1), jnp.float32),
        ],
        scratch_shapes=[pltpu.VMEM((1, K), jnp.float32)],
    )(flat, ets)


def _sc_gather_body(n_rows, chunk, table_hbm, idx_hbm, out_hbm,
                    idx_v, rows_v, sem, sem_out):
    per_w = n_rows // _SC_WORKERS
    wid = lax.axis_index("s") * _SC_CORES + lax.axis_index("c")
    base = wid * per_w
    pltpu.sync_copy(idx_hbm.at[pl.ds(base, per_w)], idx_v)
    nchunks = per_w // chunk
    for j in range(nchunks):
        pltpu.async_copy(
            table_hbm.at[idx_v.at[pl.ds(j * chunk, chunk)]],
            rows_v.at[pl.ds(j * chunk, chunk)],
            sem,
        )
    for j in range(nchunks):
        pltpu.make_async_copy(
            table_hbm.at[idx_v.at[pl.ds(j * chunk, chunk)]],
            rows_v.at[pl.ds(j * chunk, chunk)],
            sem,
        ).wait()
        pltpu.async_copy(
            rows_v.at[pl.ds(j * chunk, chunk)],
            out_hbm.at[pl.ds(base + j * chunk, chunk)],
            sem_out,
        )
    for j in range(nchunks):
        pltpu.make_async_copy(
            rows_v.at[pl.ds(j * chunk, chunk)],
            out_hbm.at[pl.ds(base + j * chunk, chunk)],
            sem_out,
        ).wait()


def _sc_gather(table, idx_flat):
    K, D = table.shape
    N = idx_flat.shape[0]
    per_w = N // _SC_WORKERS
    chunk = 96
    mesh = plsc.VectorSubcoreMesh(core_axis_name="c", subcore_axis_name="s")
    body = functools.partial(_sc_gather_body, N, chunk)
    return pl.kernel(
        body,
        out_type=jax.ShapeDtypeStruct((N, D), jnp.float32),
        mesh=mesh,
        scratch_types=[
            pltpu.VMEM((per_w,), jnp.int32),
            pltpu.VMEM((per_w, D), jnp.float32),
            pltpu.SemaphoreType.DMA,
            pltpu.SemaphoreType.DMA,
        ],
    )(table, idx_flat)


def kernel(z, embeddings):
    B, T, D = z.shape
    N = B * T
    flat = z.reshape(N, D)
    ets = -2.0 * embeddings.T

    idx3, loss_sum = _tc_argmin(flat, ets)
    emb = _sc_gather(embeddings, idx3.reshape(N))

    encoding_indices = idx3.reshape(B, T)
    emb = emb.reshape(B, T, D)
    commitment_loss = 0.25 * loss_sum[0, 0] / (N * D)
    return emb, encoding_indices, commitment_loss

# --- scband reference (transcript-rebuilt; emitter-appended) ---
"""Pipeline reference for scband-emacodebook-14723147890851 (READ-ONLY COPY).

The authoritative reference and input builder live on the scoring server;
editing this copy changes nothing except your own understanding.
"""

import jax, jax.numpy as jnp
import numpy as np

def setup_inputs(seed: int = 0) -> dict:
    key = jax.random.key(seed)
    k1, k2 = jax.random.split(key)
    z = jax.random.normal(k1, (16, 576, 256), dtype=jnp.float32)
    embeddings = jax.random.normal(k2, (1024, 256), dtype=jnp.float32)
    return {"z": z, "embeddings": embeddings}

def reference(z, embeddings):
    B, T, D = z.shape
    flat_inputs = z.reshape(-1, D)
    distances = (flat_inputs ** 2).sum(axis=1, keepdims=True) \
        - 2.0 * flat_inputs @ embeddings.T \
        + (embeddings.T ** 2).sum(axis=0, keepdims=True)
    encoding_indices = jnp.argmin(distances, axis=1)
    encoding_indices = encoding_indices.reshape(B, T)
    emb = jnp.take(embeddings, encoding_indices, axis=0)
    commitment_loss = 0.25 * jnp.mean((z - jax.lax.stop_gradient(emb)) ** 2)
    embeddings_st = jax.lax.stop_gradient(emb - z) + z
    return (embeddings_st, encoding_indices, commitment_loss)

if __name__ == "__main__":
    import jax
    _d = setup_inputs()
    print(jax.jit(kernel)(*tuple(_d.values())))

</pallas_src>

<mosaic_0001>
#map = affine_map<(d0, d1) -> (0, 0)>
#map1 = affine_map<(d0, d1) -> (0)>
module attributes {stable_mosaic.version = 14 : i64} {
  func.func @_sc_gather_body(%arg0: i32, %arg1: i32, %arg2: memref<1024x256xf32, #tpu.memory_space<hbm>>, %arg3: memref<9216xi32, #tpu.memory_space<hbm>>, %arg4: memref<9216x256xf32, #tpu.memory_space<hbm>>, %arg5: memref<288xi32, #tpu.memory_space<vmem>>, %arg6: memref<288x256xf32, #tpu.memory_space<vmem>>, %arg7: memref<!tpu.dma_semaphore, #tpu.memory_space<semaphore_mem>>, %arg8: memref<!tpu.dma_semaphore, #tpu.memory_space<semaphore_mem>>) attributes {dimension_semantics = [#tpu.dimension_semantics<core_parallel>, #tpu.dimension_semantics<subcore_parallel>], iteration_bounds = array<i64: 2, 16>, scalar_prefetch = 0 : i64, scratch_operands = 4 : i64, tpu.core_type = #tpu.core_type<sc_vector_subcore>, window_params = [{transform_indices = #map}, {transform_indices = #map1}, {transform_indices = #map}]} {
    %mul3A = arith.constant 2 : i32
    %mul3A_0 = arith.muli %arg1, %mul3A : i32
    %add3A = arith.addi %mul3A_0, %arg0 : i32
    %mul3A_1 = arith.constant 288 : i32
    %mul3A_2 = arith.muli %add3A, %mul3A_1 : i32
    "tpu.region"() ({
      %run_scoped3A = tpu.sem_alloc : memref<!tpu.dma_semaphore, #tpu.memory_space<semaphore_mem>>
      %dma_start3A_121 = tpu.memref_slice %arg3[%mul3A_2] : memref<9216xi32, #tpu.memory_space<hbm>> -> memref<288xi32, #tpu.memory_space<hbm>>
      %dma_start3A_122 = tpu.memref_slice %arg3[%mul3A_2] : memref<9216xi32, #tpu.memory_space<hbm>> -> memref<288xi32, #tpu.memory_space<hbm>>
      tpu.enqueue_dma source(%dma_start3A_122 : memref<288xi32, #tpu.memory_space<hbm>>) target(%arg5 : memref<288xi32, #tpu.memory_space<vmem>>) target_semaphore(%run_scoped3A : memref<!tpu.dma_semaphore, #tpu.memory_space<semaphore_mem>>)
      %dma_wait3A_123 = tpu.memref_slice %arg3[%mul3A_2] : memref<9216xi32, #tpu.memory_space<hbm>> -> memref<288xi32, #tpu.memory_space<hbm>>
      %dma_wait3A_124 = tpu.memref_slice %arg3[%mul3A_2] : memref<9216xi32, #tpu.memory_space<hbm>> -> memref<288xi32, #tpu.memory_space<hbm>>
      tpu.wait_dma2 semaphore(%run_scoped3A : memref<!tpu.dma_semaphore, #tpu.memory_space<semaphore_mem>>) src(%dma_wait3A_124 : memref<288xi32, #tpu.memory_space<hbm>>) dst(%arg5 : memref<288xi32, #tpu.memory_space<vmem>>)
      tpu.yield
    }) : () -> ()
    %dma_start3A = arith.constant 0 : i32
    %dma_start3A_3 = arith.constant 0 : i32
    %dma_start3A_4 = tpu.memref_slice %arg6[%dma_start3A, %dma_start3A_3] : memref<288x256xf32, #tpu.memory_space<vmem>> -> memref<96x256xf32, #tpu.memory_space<vmem>>
    %dma_start3A_5 = arith.constant 0 : i32
    %dma_start3A_6 = tpu.memref_slice %arg5[%dma_start3A_5] : memref<288xi32, #tpu.memory_space<vmem>> -> memref<96xi32, #tpu.memory_space<vmem>>
    %dma_start3A_7 = arith.constant 0 : i32
    %dma_start3A_8 = arith.constant 0 : i32
    %dma_start3A_9 = tpu.memref_slice %arg2[%dma_start3A_7, %dma_start3A_8] : memref<1024x256xf32, #tpu.memory_space<hbm>> -> memref<1024x256xf32, #tpu.memory_space<hbm>>
    tpu.enqueue_indirect_dma source(%dma_start3A_9 : memref<1024x256xf32, #tpu.memory_space<hbm>>) target(%dma_start3A_4 : memref<96x256xf32, #tpu.memory_space<vmem>>) offsets(%dma_start3A_6 : memref<96xi32, #tpu.memory_space<vmem>>) semaphore(%arg7 : memref<!tpu.dma_semaphore, #tpu.memory_space<semaphore_mem>>)
    %dma_start3A_10 = arith.constant 96 : i32
    %dma_start3A_11 = arith.constant 0 : i32
    %dma_start3A_12 = tpu.memref_slice %arg6[%dma_start3A_10, %dma_start3A_11] : memref<288x256xf32, #tpu.memory_space<vmem>> -> memref<96x256xf32, #tpu.memory_space<vmem>>
    %dma_start3A_13 = arith.constant 96 : i32
    %dma_start3A_14 = tpu.memref_slice %arg5[%dma_start3A_13] : memref<288xi32, #tpu.memory_space<vmem>> -> memref<96xi32, #tpu.memory_space<vmem>>
    %dma_start3A_15 = arith.constant 0 : i32
    %dma_start3A_16 = arith.constant 0 : i32
    %dma_start3A_17 = tpu.memref_slice %arg2[%dma_start3A_15, %dma_start3A_16] : memref<1024x256xf32, #tpu.memory_space<hbm>> -> memref<1024x256xf32, #tpu.memory_space<hbm>>
    tpu.enqueue_indirect_dma source(%dma_start3A_17 : memref<1024x256xf32, #tpu.memory_space<hbm>>) target(%dma_start3A_12 : memref<96x256xf32, #tpu.memory_space<vmem>>) offsets(%dma_start3A_14 : memref<96xi32, #tpu.memory_space<vmem>>) semaphore(%arg7 : memref<!tpu.dma_semaphore, #tpu.memory_space<semaphore_mem>>)
    %dma_start3A_18 = arith.constant 192 : i32
    %dma_start3A_19 = arith.constant 0 : i32
    %dma_start3A_20 = tpu.memref_slice %arg6[%dma_start3A_18, %dma_start3A_19] : memref<288x256xf32, #tpu.memory_space<vmem>> -> memref<96x256xf32, #tpu.memory_space<vmem>>
    %dma_start3A_21 = arith.constant 192 : i32
    %dma_start3A_22 = tpu.memref_slice %arg5[%dma_start3A_21] : memref<288xi32, #tpu.memory_space<vmem>> -> memref<96xi32, #tpu.memory_space<vmem>>
    %dma_start3A_23 = arith.constant 0 : i32
    %dma_start3A_24 = arith.constant 0 : i32
    %dma_start3A_25 = tpu.memref_slice %arg2[%dma_start3A_23, %dma_start3A_24] : memref<1024x256xf32, #tpu.memory_space<hbm>> -> memref<1024x256xf32, #tpu.memory_space<hbm>>
    tpu.enqueue_indirect_dma source(%dma_start3A_25 : memref<1024x256xf32, #tpu.memory_space<hbm>>) target(%dma_start3A_20 : memref<96x256xf32, #tpu.memory_space<vmem>>) offsets(%dma_start3A_22 : memref<96xi32, #tpu.memory_space<vmem>>) semaphore(%arg7 : memref<!tpu.dma_semaphore, #tpu.memory_space<semaphore_mem>>)
    %dma_wait3A = arith.constant 0 : i32
    %dma_wait3A_26 = arith.constant 0 : i32
    %dma_wait3A_27 = tpu.memref_slice %arg6[%dma_wait3A, %dma_wait3A_26] : memref<288x256xf32, #tpu.memory_space<vmem>> -> memref<96x256xf32, #tpu.memory_space<vmem>>
    %dma_wait3A_28 = arith.constant 0 : i32
    %dma_wait3A_29 = tpu.memref_slice %arg5[%dma_wait3A_28] : memref<288xi32, #tpu.memory_space<vmem>> -> memref<96xi32, #tpu.memory_space<vmem>>
    %dma_wait3A_30 = arith.constant 0 : i32
    %dma_wait3A_31 = arith.constant 0 : i32
    %dma_wait3A_32 = tpu.memref_slice %arg2[%dma_wait3A_30, %dma_wait3A_31] : memref<1024x256xf32, #tpu.memory_space<hbm>> -> memref<1024x256xf32, #tpu.memory_space<hbm>>
    tpu.wait_indirect_dma semaphore(%arg7 : memref<!tpu.dma_semaphore, #tpu.memory_space<semaphore_mem>>) src(%dma_wait3A_32 : memref<1024x256xf32, #tpu.memory_space<hbm>>) dst(%dma_wait3A_27 : memref<96x256xf32, #tpu.memory_space<vmem>>)
    %add3A_33 = arith.constant 0 : i32
    %add3A_34 = arith.addi %mul3A_2, %add3A_33 : i32
    %dma_start3A_35 = arith.constant 0 : i32
    %dma_start3A_36 = arith.constant 0 : i32
    %dma_start3A_37 = tpu.memref_slice %arg6[%dma_start3A_35, %dma_start3A_36] : memref<288x256xf32, #tpu.memory_space<vmem>> -> memref<96x256xf32, #tpu.memory_space<vmem>>
    %dma_start3A_38 = arith.constant 0 : i32
    %dma_start3A_39 = tpu.memref_slice %arg4[%add3A_34, %dma_start3A_38] : memref<9216x256xf32, #tpu.memory_space<hbm>> -> memref<96x256xf32, #tpu.memory_space<hbm>>
    %dma_start3A_40 = arith.constant 0 : i32
    %dma_start3A_41 = tpu.memref_slice %arg4[%add3A_34, %dma_start3A_40] : memref<9216x256xf32, #tpu.memory_space<hbm>> -> memref<96x256xf32, #tpu.memory_space<hbm>>
    %dma_start3A_42 = arith.constant 0 : i32
    %dma_start3A_43 = arith.constant 0 : i32
    %dma_start3A_44 = tpu.memref_slice %arg6[%dma_start3A_42, %dma_start3A_43] : memref<288x256xf32, #tpu.memory_space<vmem>> -> memref<96x256xf32, #tpu.memory_space<vmem>>
    tpu.enqueue_dma source(%dma_start3A_44 : memref<96x256xf32, #tpu.memory_space<vmem>>) target(%dma_start3A_41 : memref<96x256xf32, #tpu.memory_space<hbm>>) target_semaphore(%arg8 : memref<!tpu.dma_semaphore, #tpu.memory_space<semaphore_mem>>)
    %dma_wait3A_45 = arith.constant 96 : i32
    %dma_wait3A_46 = arith.constant 0 : i32
    %dma_wait3A_47 = tpu.memref_slice %arg6[%dma_wait3A_45, %dma_wait3A_46] : memref<288x256xf32, #tpu.memory_space<vmem>> -> memref<96x256xf32, #tpu.memory_space<vmem>>
    %dma_wait3A_48 = arith.constant 96 : i32
    %dma_wait3A_49 = tpu.memref_slice %arg5[%dma_wait3A_48] : memref<288xi32, #tpu.memory_space<vmem>> -> memref<96xi32, #tpu.memory_space<vmem>>
    %dma_wait3A_50 = arith.constant 0 : i32
    %dma_wait3A_51 = arith.constant 0 : i32
    %dma_wait3A_52 = tpu.memref_slice %arg2[%dma_wait3A_50, %dma_wait3A_51] : memref<1024x256xf32, #tpu.memory_space<hbm>> -> memref<1024x256xf32, #tpu.memory_space<hbm>>
    tpu.wait_indirect_dma semaphore(%arg7 : memref<!tpu.dma_semaphore, #tpu.memory_space<semaphore_mem>>) src(%dma_wait3A_52 : memref<1024x256xf32, #tpu.memory_space<hbm>>) dst(%dma_wait3A_47 : memref<96x256xf32, #tpu.memory_space<vmem>>)
    %add3A_53 = arith.constant 96 : i32
    %add3A_54 = arith.addi %mul3A_2, %add3A_53 : i32
    %dma_start3A_55 = arith.constant 96 : i32
    %dma_start3A_56 = arith.constant 0 : i32
    %dma_start3A_57 = tpu.memref_slice %arg6[%dma_start3A_55, %dma_start3A_56] : memref<288x256xf32, #tpu.memory_space<vmem>> -> memref<96x256xf32, #tpu.memory_space<vmem>>
    %dma_start3A_58 = arith.constant 0 : i32
    %dma_start3A_59 = tpu.memref_slice %arg4[%add3A_54, %dma_start3A_58] : memref<9216x256xf32, #tpu.memory_space<hbm>> -> memref<96x256xf32, #tpu.memory_space<hbm>>
    %dma_start3A_60 = arith.constant 0 : i32
    %dma_start3A_61 = tpu.memref_slice %arg4[%add3A_54, %dma_start3A_60] : memref<9216x256xf32, #tpu.memory_space<hbm>> -> memref<96x256xf32, #tpu.memory_space<hbm>>
    %dma_start3A_62 = arith.constant 96 : i32
    %dma_start3A_63 = arith.constant 0 : i32
    %dma_start3A_64 = tpu.memref_slice %arg6[%dma_start3A_62, %dma_start3A_63] : memref<288x256xf32, #tpu.memory_space<vmem>> -> memref<96x256xf32, #tpu.memory_space<vmem>>
    tpu.enqueue_dma source(%dma_start3A_64 : memref<96x256xf32, #tpu.memory_space<vmem>>) target(%dma_start3A_61 : memref<96x256xf32, #tpu.memory_space<hbm>>) target_semaphore(%arg8 : memref<!tpu.dma_semaphore, #tpu.memory_space<semaphore_mem>>)
    %dma_wait3A_65 = arith.constant 192 : i32
    %dma_wait3A_66 = arith.constant 0 : i32
    %dma_wait3A_67 = tpu.memref_slice %arg6[%dma_wait3A_65, %dma_wait3A_66] : memref<288x256xf32, #tpu.memory_space<vmem>> -> memref<96x256xf32, #tpu.memory_space<vmem>>
    %dma_wait3A_68 = arith.constant 192 : i32
    %dma_wait3A_69 = tpu.memref_slice %arg5[%dma_wait3A_68] : memref<288xi32, #tpu.memory_space<vmem>> -> memref<96xi32, #tpu.memory_space<vmem>>
    %dma_wait3A_70 = arith.constant 0 : i32
    %dma_wait3A_71 = arith.constant 0 : i32
    %dma_wait3A_72 = tpu.memref_slice %arg2[%dma_wait3A_70, %dma_wait3A_71] : memref<1024x256xf32, #tpu.memory_space<hbm>> -> memref<1024x256xf32, #tpu.memory_space<hbm>>
    tpu.wait_indirect_dma semaphore(%arg7 : memref<!tpu.dma_semaphore, #tpu.memory_space<semaphore_mem>>) src(%dma_wait3A_72 : memref<1024x256xf32, #tpu.memory_space<hbm>>) dst(%dma_wait3A_67 : memref<96x256xf32, #tpu.memory_space<vmem>>)
    %add3A_73 = arith.constant 192 : i32
    %add3A_74 = arith.addi %mul3A_2, %add3A_73 : i32
    %dma_start3A_75 = arith.constant 192 : i32
    %dma_start3A_76 = arith.constant 0 : i32
    %dma_start3A_77 = tpu.memref_slice %arg6[%dma_start3A_75, %dma_start3A_76] : memref<288x256xf32, #tpu.memory_space<vmem>> -> memref<96x256xf32, #tpu.memory_space<vmem>>
    %dma_start3A_78 = arith.constant 0 : i32
    %dma_start3A_79 = tpu.memref_slice %arg4[%add3A_74, %dma_start3A_78] : memref<9216x256xf32, #tpu.memory_space<hbm>> -> memref<96x256xf32, #tpu.memory_space<hbm>>
    %dma_start3A_80 = arith.constant 0 : i32
    %dma_start3A_81 = tpu.memref_slice %arg4[%add3A_74, %dma_start3A_80] : memref<9216x256xf32, #tpu.memory_space<hbm>> -> memref<96x256xf32, #tpu.memory_space<hbm>>
    %dma_start3A_82 = arith.constant 192 : i32
    %dma_start3A_83 = arith.constant 0 : i32
    %dma_start3A_84 = tpu.memref_slice %arg6[%dma_start3A_82, %dma_start3A_83] : memref<288x256xf32, #tpu.memory_space<vmem>> -> memref<96x256xf32, #tpu.memory_space<vmem>>
    tpu.enqueue_dma source(%dma_start3A_84 : memref<96x256xf32, #tpu.memory_space<vmem>>) target(%dma_start3A_81 : memref<96x256xf32, #tpu.memory_space<hbm>>) target_semaphore(%arg8 : memref<!tpu.dma_semaphore, #tpu.memory_space<semaphore_mem>>)
    %add3A_85 = arith.constant 0 : i32
    %add3A_86 = arith.addi %mul3A_2, %add3A_85 : i32
    %dma_wait3A_87 = arith.constant 0 : i32
    %dma_wait3A_88 = arith.constant 0 : i32
    %dma_wait3A_89 = tpu.memref_slice %arg6[%dma_wait3A_87, %dma_wait3A_88] : memref<288x256xf32, #tpu.memory_space<vmem>> -> memref<96x256xf32, #tpu.memory_space<vmem>>
    %dma_wait3A_90 = arith.constant 0 : i32
    %dma_wait3A_91 = tpu.memref_slice %arg4[%add3A_86, %dma_wait3A_90] : memref<9216x256xf32, #tpu.memory_space<hbm>> -> memref<96x256xf32, #tpu.memory_space<hbm>>
    %dma_wait3A_92 = arith.constant 0 : i32
    %dma_wait3A_93 = tpu.memref_slice %arg4[%add3A_86, %dma_wait3A_92] : memref<9216x256xf32, #tpu.memory_space<hbm>> -> memref<96x256xf32, #tpu.memory_space<hbm>>
    %dma_wait3A_94 = arith.constant 0 : i32
    %dma_wait3A_95 = arith.constant 0 : i32
    %dma_wait3A_96 = tpu.memref_slice %arg6[%dma_wait3A_94, %dma_wait3A_95] : memref<288x256xf32, #tpu.memory_space<vmem>> -> memref<96x256xf32, #tpu.memory_space<vmem>>
    tpu.wait_dma2 semaphore(%arg8 : memref<!tpu.dma_semaphore, #tpu.memory_space<semaphore_mem>>) src(%dma_wait3A_96 : memref<96x256xf32, #tpu.memory_space<vmem>>) dst(%dma_wait3A_93 : memref<96x256xf32, #tpu.memory_space<hbm>>)
    %add3A_97 = arith.constant 96 : i32
    %add3A_98 = arith.addi %mul3A_2, %add3A_97 : i32
    %dma_wait3A_99 = arith.constant 96 : i32
    %dma_wait3A_100 = arith.constant 0 : i32
    %dma_wait3A_101 = tpu.memref_slice %arg6[%dma_wait3A_99, %dma_wait3A_100] : memref<288x256xf32, #tpu.memory_space<vmem>> -> memref<96x256xf32, #tpu.memory_space<vmem>>
    %dma_wait3A_102 = arith.constant 0 : i32
    %dma_wait3A_103 = tpu.memref_slice %arg4[%add3A_98, %dma_wait3A_102] : memref<9216x256xf32, #tpu.memory_space<hbm>> -> memref<96x256xf32, #tpu.memory_space<hbm>>
    %dma_wait3A_104 = arith.constant 0 : i32
    %dma_wait3A_105 = tpu.memref_slice %arg4[%add3A_98, %dma_wait3A_104] : memref<9216x256xf32, #tpu.memory_space<hbm>> -> memref<96x256xf32, #tpu.memory_space<hbm>>
    %dma_wait3A_106 = arith.constant 96 : i32
    %dma_wait3A_107 = arith.constant 0 : i32
    %dma_wait3A_108 = tpu.memref_slice %arg6[%dma_wait3A_106, %dma_wait3A_107] : memref<288x256xf32, #tpu.memory_space<vmem>> -> memref<96x256xf32, #tpu.memory_space<vmem>>
    tpu.wait_dma2 semaphore(%arg8 : memref<!tpu.dma_semaphore, #tpu.memory_space<semaphore_mem>>) src(%dma_wait3A_108 : memref<96x256xf32, #tpu.memory_space<vmem>>) dst(%dma_wait3A_105 : memref<96x256xf32, #tpu.memory_space<hbm>>)
    %add3A_109 = arith.constant 192 : i32
    %add3A_110 = arith.addi %mul3A_2, %add3A_109 : i32
    %dma_wait3A_111 = arith.constant 192 : i32
    %dma_wait3A_112 = arith.constant 0 : i32
    %dma_wait3A_113 = tpu.memref_slice %arg6[%dma_wait3A_111, %dma_wait3A_112] : memref<288x256xf32, #tpu.memory_space<vmem>> -> memref<96x256xf32, #tpu.memory_space<vmem>>
    %dma_wait3A_114 = arith.constant 0 : i32
    %dma_wait3A_115 = tpu.memref_slice %arg4[%add3A_110, %dma_wait3A_114] : memref<9216x256xf32, #tpu.memory_space<hbm>> -> memref<96x256xf32, #tpu.memory_space<hbm>>
    %dma_wait3A_116 = arith.constant 0 : i32
    %dma_wait3A_117 = tpu.memref_slice %arg4[%add3A_110, %dma_wait3A_116] : memref<9216x256xf32, #tpu.memory_space<hbm>> -> memref<96x256xf32, #tpu.memory_space<hbm>>
    %dma_wait3A_118 = arith.constant 192 : i32
    %dma_wait3A_119 = arith.constant 0 : i32
    %dma_wait3A_120 = tpu.memref_slice %arg6[%dma_wait3A_118, %dma_wait3A_119] : memref<288x256xf32, #tpu.memory_space<vmem>> -> memref<96x256xf32, #tpu.memory_space<vmem>>
    tpu.wait_dma2 semaphore(%arg8 : memref<!tpu.dma_semaphore, #tpu.memory_space<semaphore_mem>>) src(%dma_wait3A_120 : memref<96x256xf32, #tpu.memory_space<vmem>>) dst(%dma_wait3A_117 : memref<96x256xf32, #tpu.memory_space<hbm>>)
    return
  }
}

module attributes {stable_mosaic.version = 14 : i64} {
  func.func @_vq_block(%arg0: i32, %arg1: memref<512x256xf32, #tpu.memory_space<vmem>>, %arg2: memref<256x1024xf32, #tpu.memory_space<vmem>>, %arg3: memref<1x1x512xi32, #tpu.memory_space<vmem>>, %arg4: memref<1x1xf32, #tpu.memory_space<vmem>>, %arg5: memref<1x1024xf32, #tpu.memory_space<vmem>>) attributes {dimension_semantics = [#tpu.dimension_semantics<arbitrary>], iteration_bounds = array<i64: 18>, scalar_prefetch = 0 : i64, scratch_operands = 1 : i64, tpu.core_type = #tpu.core_type<tc>, window_params = [{transform_indices = @transform_0, window_bounds = array<i64: 512, 256>}, {pipeline_mode = #tpu.pipeline_mode<synchronous>, transform_indices = @transform_1, window_bounds = array<i64: 256, 1024>}, {transform_indices = @transform_2, window_bounds = array<i64: 1, 1, 512>}, {pipeline_mode = #tpu.pipeline_mode<synchronous>, transform_indices = @transform_3, window_bounds = array<i64: 1, 1>}]} {
    %eq3A = arith.constant 0 : i32
    %eq3A_0 = arith.cmpi eq, %arg0, %eq3A : i32
    %convert_element_type3A = arith.extui %eq3A_0 : i1 to i32
    %cond3A = arith.constant 0 : i32
    %cond3A_1 = arith.cmpi ne, %convert_element_type3A, %cond3A : i32
    scf.if %cond3A_1 {
      %get3A_39 = arith.constant 0 : index
      %get3A_40 = arith.constant 0 : index
      %get3A_41 = vector.load %arg2[%get3A_39, %get3A_40] : memref<256x1024xf32, #tpu.memory_space<vmem>>, vector<256x1024xf32>
      %mul3A_42 = arith.mulf %get3A_41, %get3A_41 : vector<256x1024xf32>
      %reduce_sum3A_43 = arith.constant dense<0.000000e+00> : vector<1024xf32>
      %reduce_sum3A_44 = vector.multi_reduction <add>, %mul3A_42, %reduce_sum3A_43 [0] : vector<256x1024xf32> to vector<1024xf32>
      %broadcast_in_dim3A_45 = vector.shape_cast %reduce_sum3A_44 : vector<1024xf32> to vector<1x1024xf32>
      %mul3A_46 = arith.constant 2.500000e-01 : f32
      %mul3A_47 = vector.broadcast %mul3A_46 : f32 to vector<1x1024xf32>
      %mul3A_48 = arith.mulf %mul3A_47, %broadcast_in_dim3A_45 : vector<1x1024xf32>
      %swap3A_49 = arith.constant 0 : index
      %swap3A_50 = arith.constant 0 : index
      %swap3A_51 = vector.load %arg5[%swap3A_49, %swap3A_50] : memref<1x1024xf32, #tpu.memory_space<vmem>>, vector<1x1024xf32>
      tpu.vector_store %arg5[%swap3A_49, %swap3A_50], %mul3A_48 {strides = array<i32>} : memref<1x1024xf32, #tpu.memory_space<vmem>>, vector<1x1024xf32>,
      %broadcast_in_dim3A_52 = arith.constant 0.000000e+00 : f32
      %broadcast_in_dim3A_53 = vector.broadcast %broadcast_in_dim3A_52 : f32 to vector<1x1xf32>
      %swap3A_54 = arith.constant 0 : index
      %swap3A_55 = arith.constant 0 : index
      %swap3A_56 = vector.load %arg4[%swap3A_54, %swap3A_55] : memref<1x1xf32, #tpu.memory_space<vmem>>, vector<1x1xf32>
      tpu.vector_store %arg4[%swap3A_54, %swap3A_55], %broadcast_in_dim3A_53 {strides = array<i32>} : memref<1x1xf32, #tpu.memory_space<vmem>>, vector<1x1xf32>,
    } else {
    }
    %get3A = arith.constant 0 : index
    %get3A_2 = arith.constant 0 : index
    %get3A_3 = vector.load %arg1[%get3A, %get3A_2] : memref<512x256xf32, #tpu.memory_space<vmem>>, vector<512x256xf32>
    %get3A_4 = arith.constant 0 : index
    %get3A_5 = arith.constant 0 : index
    %get3A_6 = vector.load %arg2[%get3A_4, %get3A_5] : memref<256x1024xf32, #tpu.memory_space<vmem>>, vector<256x1024xf32>
    %dot_general3A = arith.constant dense<0.000000e+00> : vector<512x1024xf32>
    %dot_general3A_7 = tpu.matmul %get3A_3, %get3A_6, %dot_general3A {dimension_numbers = #tpu.dot_dimension_numbers<[1], [0], [0], [1], [0, 0, 1, 1], [], []>, transpose_lhs_hint = false} : vector<512x256xf32>, vector<256x1024xf32>, vector<512x1024xf32> -> vector<512x1024xf32>
    %mul3A = arith.mulf %get3A_3, %get3A_3 : vector<512x256xf32>
    %reduce_sum3A = arith.constant dense<0.000000e+00> : vector<512xf32>
    %reduce_sum3A_8 = vector.multi_reduction <add>, %mul3A, %reduce_sum3A [1] : vector<512x256xf32> to vector<512xf32>
    %broadcast_in_dim3A = vector.shape_cast %reduce_sum3A_8 : vector<512xf32> to vector<512x1xf32>
    %add3A = vector.broadcast %broadcast_in_dim3A : vector<512x1xf32> to vector<512x1024xf32>
    %add3A_9 = arith.addf %add3A, %dot_general3A_7 : vector<512x1024xf32>
    %get3A_10 = arith.constant 0 : index
    %get3A_11 = arith.constant 0 : index
    %get3A_12 = vector.load %arg5[%get3A_10, %get3A_11] : memref<1x1024xf32, #tpu.memory_space<vmem>>, vector<1x1024xf32>
    %add3A_13 = vector.broadcast %get3A_12 : vector<1x1024xf32> to vector<512x1024xf32>
    %add3A_14 = arith.addf %add3A_9, %add3A_13 : vector<512x1024xf32>
    %reduce_min3A = arith.constant dense<0x7F800000> : vector<512xf32>
    %reduce_min3A_15 = vector.multi_reduction <minimumf>, %add3A_14, %reduce_min3A [1] : vector<512x1024xf32> to vector<512xf32>
    %broadcast_in_dim3A_16 = vector.shape_cast %reduce_min3A_15 : vector<512xf32> to vector<512x1xf32>
    %iota3A = tpu.iota {dimensions = array<i32: 1>} : vector<512x1024xi32>
    %eq3A_17 = vector.broadcast %broadcast_in_dim3A_16 : vector<512x1xf32> to vector<512x1024xf32>
    %eq3A_18 = arith.cmpf oeq, %add3A_14, %eq3A_17 : vector<512x1024xf32>
    %jit3A = arith.constant 1024 : i32
    %broadcast_in_dim3A_19 = vector.broadcast %jit3A : i32 to vector<512x1024xi32>
    %select_n3A = arith.select %eq3A_18, %iota3A, %broadcast_in_dim3A_19 : vector<512x1024xi1>, vector<512x1024xi32>
    %reduce_min3A_20 = arith.constant dense<2147483647> : vector<512xi32>
    %reduce_min3A_21 = vector.multi_reduction <minsi>, %select_n3A, %reduce_min3A_20 [1] : vector<512x1024xi32> to vector<512xi32>
    %swap3A = arith.constant 0 : index
    %swap3A_22 = arith.constant 0 : index
    %swap3A_23 = arith.constant 0 : index
    %swap3A_24 = vector.load %arg3[%swap3A, %swap3A_22, %swap3A_23] : memref<1x1x512xi32, #tpu.memory_space<vmem>>, vector<1x1x512xi32>
    %swap3A_25 = vector.shape_cast %swap3A_24 : vector<1x1x512xi32> to vector<512xi32>
    %swap3A_26 = vector.shape_cast %reduce_min3A_21 : vector<512xi32> to vector<1x1x512xi32>
    tpu.vector_store %arg3[%swap3A, %swap3A_22, %swap3A_23], %swap3A_26 {strides = array<i32>} : memref<1x1x512xi32, #tpu.memory_space<vmem>>, vector<1x1x512xi32>,
    %get3A_27 = arith.constant 0 : index
    %get3A_28 = arith.constant 0 : index
    %get3A_29 = vector.load %arg4[%get3A_27, %get3A_28] : memref<1x1xf32, #tpu.memory_space<vmem>>, vector<1x1xf32>
    %reduce_sum3A_30 = vector.shape_cast %broadcast_in_dim3A_16 : vector<512x1xf32> to vector<1x512x1xf32>
    %reduce_sum3A_31 = arith.constant dense<0.000000e+00> : vector<1xf32>
    %reduce_sum3A_32 = vector.multi_reduction <add>, %reduce_sum3A_30, %reduce_sum3A_31 [1, 2] : vector<1x512x1xf32> to vector<1xf32>
    %reduce_sum3A_33 = vector.shape_cast %reduce_sum3A_32 : vector<1xf32> to vector<1x1x1xf32>
    %reduce_sum3A_34 = vector.extract %reduce_sum3A_33[0, 0, 0] : f32 from vector<1x1x1xf32>
    %reshape3A = vector.broadcast %reduce_sum3A_34 : f32 to vector<1x1xf32>
    %add3A_35 = arith.addf %get3A_29, %reshape3A : vector<1x1xf32>
    %swap3A_36 = arith.constant 0 : index
    %swap3A_37 = arith.constant 0 : index
    %swap3A_38 = vector.load %arg4[%swap3A_36, %swap3A_37] : memref<1x1xf32, #tpu.memory_space<vmem>>, vector<1x1xf32>
    tpu.vector_store %arg4[%swap3A_36, %swap3A_37], %add3A_35 {strides = array<i32>} : memref<1x1xf32, #tpu.memory_space<vmem>>, vector<1x1xf32>,
    return
  }
  func.func @transform_0(%arg0: i32) -> (i32, i32) {
    %c0_i32 = arith.constant 0 : i32
    %c0_i32_0 = arith.constant 0 : i32
    return %arg0, %c0_i32 : i32, i32
  }
  func.func @transform_1(%arg0: i32) -> (i32, i32) {
    %c0_i32 = arith.constant 0 : i32
    %c0_i32_0 = arith.constant 0 : i32
    %c0_i32_1 = arith.constant 0 : i32
    return %c0_i32, %c0_i32_0 : i32, i32
  }
  func.func @transform_2(%arg0: i32) -> (i32, i32, i32) {
    %c0_i32 = arith.constant 0 : i32
    %c0_i32_0 = arith.constant 0 : i32
    %c0_i32_1 = arith.constant 0 : i32
    return %arg0, %c0_i32, %c0_i32_0 : i32, i32, i32
  }
  func.func @transform_3(%arg0: i32) -> (i32, i32) {
    %c0_i32 = arith.constant 0 : i32
    %c0_i32_0 = arith.constant 0 : i32
    %c0_i32_1 = arith.constant 0 : i32
    return %c0_i32, %c0_i32_0 : i32, i32
  }
}

</mosaic_0001>

<sc_bundles>
// kernel: kernel.4.cloned.1.call-start
scs
__scs_entry_jumppad:
0x0: {  	(pc) =	sbr.rel $0x88, $3  }
0x1: {  	(tag) =	ssettag $0x0;
	lr =	simm.s32 $0x1  }
0x2: {  	[smem:$0x3F9F] =	sst lr;
	_ =	strace $0xD0000000  }
0x3: {  	_ = 	snop  }
0x4: {  	_ = 	snop  }
0x5: {  	_ = 	snop  }
0x6: {  	_ = 	snop  }
0x7: {  	_ = 	snop  }
__scs_overlays_trampoline_lowered:
0x8: {  	[smem:$0x3FAE] =	sst s0  }
0x9: {  	[smem:$0x3FAF] =	sst s1  }
0xa: {  	[smem:$0x3FB0] =	sst s2  }
0xb: {  	[smem:$0x3FB1] =	sst s3  }
0xc: {  	[smem:$0x3FB2] =	sst s4  }
0xd: {  	[smem:$0x3FB3] =	sst s5  }
0xe: {  	[smem:$0x3FB4] =	sst s6  }
0xf: {  	[smem:$0x3FB5] =	sst s7  }
0x10: {  	[smem:$0x3FB6] =	sst s8  }
0x11: {  	[smem:$0x3FB7] =	sst s9;
	s0 =	simm.s32 @!p0 $0x0  }
0x12: {  	s1 =	sld [smem:$0x3F9D];
	s0 =	simm.s32 @p0 $0x1  }
0x13: {  	[smem:$0x3FB8] =	sst s0;
	s0 =	simm.s32 @!p1 $0x0  }
0x14: {  	s2 =	sld [smem:$0x3F9C];
	s0 =	simm.s32 @p1 $0x1  }
0x15: {  	[smem:$0x3FB9] =	sst s0;
	s0 =	simm.s32 @!p2 $0x0  }
0x16: {  	s3 =	sld [smem:$0x3FDB];
	s0 =	simm.s32 @p2 $0x1  }
0x17: {  	s4 =	simm.s32 $0x1BF5;
	[smem:$0x3FBB] =	sst s0  }
0x18: {  	s0 =	sld [smem:$0x3F9E];
	_ =	swait.ge [sflag:s4], $0x0  }
0x19: {  	s7 =	sld [smem:$0x3F9F]  }
0x1a: {  	s8 =	sadd.s32 $0xFFFFE003, lr  }
0x1b: {  	s9 =	sadd.s32 $0xFFFFFEF7, lr;
	s5 =	simm.s32 $0xFFFFFFFF;
	p2 =	slt.u32 s8, $0xFFFFF086  }
0x1c: {  	p1 =	slt.u32 s9, $0xF7A;
	s5 =	simm.s32 @!p2 $0x0  }
0x1d: {  	s5 =	simm.s32 @p1 $0x1;
	p0 =	seq.s32 s7, s2  }
0x1e: {  	s7 =	smul.u32 @!p0 $0xF7A, s2;
	p2 =	seq.s32 @!p0 s5, $0x0  }
0x1f: {  	s9 =	smul.u32 $0xF7A, s1;
	s8 =	simm.s32 @!p0 $0x1BF5;
	p2 =	por !p2, p0  }
0x20: {  	[sflag:s8] =	ssyncset.s32 @!p0 $0xFFFFF086;
	s6 =	sadd.s32 @!p0 s3, s7;
	s7 =	simm.s32 @!p0 $0x108  }
0x21: {  	s3 =	sadd.s32 s3, s9;
	s6 =	sadd.s32 @!p0 $0x88, s6;
	s7 =	simm.s32 @p2 $0x1082  }
0x22: {  	[simem:s7], [sflag:s8] =	dma.local @!p0 [hbm:s6], $0xF7A  }
0x23: {  	s9 =	sor.u32 $0xD0000000, s2;
	s6 =	simm.s32 $0x108;
	_ =	swait.ge @!p0 [sflag:s8], $0x0  }
0x24: {  	s3 =	sadd.s32 $0x88, s3;
	s6 =	simm.s32 @!p1 $0x1082;
	[sflag:s4] =	ssyncset.s32 $0xFFFFF086  }
0x25: {  	[simem:s6], [sflag:s4] =	dma.local [hbm:s3], $0xF7A  }
0x26: {  	[smem:$0x3F9F] =	sst s1;
	(tag) =	ssettag s2;
	_ =	strace s9  }
0x27: {  	s1 =	sld [smem:$0x3FAF]  }
0x28: {  	s2 =	sld [smem:$0x3FB0]  }
0x29: {  	s4 =	sld [smem:$0x3FB2]  }
0x2a: {  	p0 =	seq.s32 s5, $0x0;
	s5 =	sld [smem:$0x3FB3]  }
0x2b: {  	s6 =	sld [smem:$0x3FB4]  }
0x2c: {  	s7 =	sld [smem:$0x3FB5]  }
0x2d: {  	s3 =	simm.s32 $0x108;
	s8 =	sld [smem:$0x3FB6]  }
0x2e: {  	s3 =	simm.s32 @!p0 $0x1082;
	s9 =	sld [smem:$0x3FB7]  }
0x2f: {  	lr =	sadd.s32 s0, s3;
	s0 =	sld [smem:$0x3FAE]  }
0x30: {  	s3 =	sld [smem:$0x3FB1]  }
0x31: {  	[smem:$0x3FBA] =	sst s10  }
0x32: {  	s10 =	sld [smem:$0x3FB8];
	_ =	sdelay $0x3  }
0x33: {  	p0 =	seq.s32 s10, $0x1;
	s10 =	sld [smem:$0x3FBA];
	_ =	sdelay $0x3  }
0x34: {  	[smem:$0x3FBA] =	sst s10  }
0x35: {  	s10 =	sld [smem:$0x3FB9];
	_ =	sdelay $0x3  }
0x36: {  	p1 =	seq.s32 s10, $0x1;
	s10 =	sld [smem:$0x3FBA];
	_ =	sdelay $0x3  }
0x37: {  	[smem:$0x3FBA] =	sst s10  }
0x38: {  	s10 =	sld [smem:$0x3FBB]  }
0x39: {  	_ = 	snop;
	(pc) =	sbr.ind lr, $3  }
0x3a: {  	_ = 	snop  }
0x3b: {  	_ = 	snop  }
0x3c: {  	p2 =	seq.s32 s10, $0x1;
	s10 =	sld [smem:$0x3FBA]  }
0x3d: {  	_ =	shalt  }
0x3e: {  	_ =	shalt  }
0x3f: {  	_ =	shalt  }
0x40: {  	_ =	shalt  }
0x41: {  	_ =	shalt  }
0x42: {  	_ =	shalt  }
0x43: {  	_ =	shalt  }
0x44: {  	_ =	shalt  }
0x45: {  	_ =	shalt  }
0x46: {  	_ =	shalt  }
0x47: {  	_ =	shalt  }
0x48: {  	_ =	shalt  }
0x49: {  	_ =	shalt  }
0x4a: {  	_ =	shalt  }
0x4b: {  	_ =	shalt  }
0x4c: {  	_ =	shalt  }
0x4d: {  	_ =	shalt  }
0x4e: {  	_ =	shalt  }
0x4f: {  	_ =	shalt  }
0x50: {  	_ =	shalt  }
0x51: {  	_ =	shalt  }
0x52: {  	_ =	shalt  }
0x53: {  	_ =	shalt  }
0x54: {  	_ =	shalt  }
0x55: {  	_ =	shalt  }
0x56: {  	_ =	shalt  }
0x57: {  	_ =	shalt  }
0x58: {  	_ =	shalt  }
0x59: {  	_ =	shalt  }
0x5a: {  	_ =	shalt  }
0x5b: {  	_ =	shalt  }
0x5c: {  	_ =	shalt  }
0x5d: {  	_ =	shalt  }
0x5e: {  	_ =	shalt  }
0x5f: {  	_ =	shalt  }
0x60: {  	_ =	shalt  }
0x61: {  	_ =	shalt  }
0x62: {  	_ =	shalt  }
0x63: {  	_ =	shalt  }
0x64: {  	_ =	shalt  }
0x65: {  	_ =	shalt  }
0x66: {  	_ =	shalt  }
0x67: {  	_ =	shalt  }
0x68: {  	_ =	shalt  }
0x69: {  	_ =	shalt  }
0x6a: {  	_ =	shalt  }
0x6b: {  	_ =	shalt  }
0x6c: {  	_ =	shalt  }
0x6d: {  	_ =	shalt  }
0x6e: {  	_ =	shalt  }
0x6f: {  	_ =	shalt  }
0x70: {  	_ =	shalt  }
0x71: {  	_ =	shalt  }
0x72: {  	_ =	shalt  }
0x73: {  	_ =	shalt  }
0x74: {  	_ =	shalt  }
0x75: {  	_ =	shalt  }
0x76: {  	_ =	shalt  }
0x77: {  	_ =	shalt  }
0x78: {  	_ =	shalt  }
0x79: {  	_ =	shalt  }
0x7a: {  	_ =	shalt  }
0x7b: {  	_ =	shalt  }
0x7c: {  	_ =	shalt  }
0x7d: {  	_ =	shalt  }
0x7e: {  	_ =	shalt  }
0x7f: {  	_ =	shalt  }
0x80: {  	_ =	shalt  }
0x81: {  	_ =	shalt  }
0x82: {  	_ =	shalt  }
0x83: {  	_ =	shalt  }
0x84: {  	_ =	shalt  }
0x85: {  	_ =	shalt  }
0x86: {  	_ =	shalt  }
0x87: {  	_ =	shalt  }
.Lfunc_end0:
.L_simem_size_0:
called_computation_lowered:
.L_overlay_start_0:
0x88: {  	s2 =	sld [smem:$0x3FD9]  }
0x89: {  	s3 =	sld [smem:$0x3FFE];
	_ =	sdelay $0x1  }
0x8a: {  	s1 =	srdreg.scid  }
0x8b: {  	s0 =	sand.u32 $0x1, s1  }
0x8c: {  	s14 =	sshll.u32 s0, $0xA;
	s2 =	sadd.s32 s3, s2  }
0x8d: {  	s2 =	sadd.s32 s2, s14  }
0x8e: {  	[smem:$0x3FC6] =	sst s2  }
0x8f: {  	_ = 	snop  }
0x90: {  	s2 =	sld [smem:$0x3FD0];
	_ =	sdelay $0x2  }
0x91: {  	s4 =	simm.s32 $0xA;
	s5 =	simm.s32 $0x10;
	s15 =	sld [smem:$0x3FC8]  }
0x92: {  	[smem:s5], [sflag:s4] =	dma.local [hbm:s2], $0x1  }
0x93: {  	_ =	swait.eq [sflag:s4], $0x1  }
0x94: {  	[sflag:s4] =	ssyncset.done $0x0  }
0x95: {  	[sflag:s4] =	ssyncadd.s32 $0xFFFFFFFF  }
0x96: {  	s16 =	sld [smem:$0x10];
	(tm) =	ssettm $0x1  }
0x97: {  	s17 =	sld [smem:$0x3FFB];
	_ =	sdelay $0x3  }
0x98: {  	_ =	strace s17  }
0x99: {  	s4 =	sld [smem:$0x3FFC];
	_ =	sdelay $0x3  }
0x9a: {  	_ =	strace s4  }
0x9b: {  	s4 =	sld [smem:$0x3FFD];
	_ =	sdelay $0x3  }
0x9c: {  	_ =	strace s4  }
0x9d: {  	_ =	strace $0x8FFFFFFF  }
0x9e: {  	s18 =	sld [smem:$0x3FDB];
	_ =	sdelay $0x1  }
0x9f: {  	s19 =	simm.s32 $_scs_section_size  }
0xa0: {  	s6 =	simm.s32 $_size__tile_overlayer_lowered;
	s7 =	simm.s32 $_tile_overlayer_lowered  }
0xa1: {  	s22 =	simm.s32 $0x1BFF;
	s21 =	sshll.u32 s7, $0x1;
	s4 =	sadd.s32 s19, s18  }
0xa2: {  	s8 =	simm.s32 $0x0;
	s20 =	sshll.u32 s6, $0x1;
	s6 =	sadd.s32 s21, s4  }
0xa3: {  	[timem:s8], [sflag:s22] =	dma.local [hbm:s6], s20  }
0xa4: {  	_ =	swait.ge [sflag:s22], s20  }
0xa5: {  	s5 =	ssub.s32 $0x0, s20;
	[sflag:s22] =	ssyncset.done $0x0  }
0xa6: {  	[sflag:s22] =	ssyncadd.s32 s5;
	_ =	sdelay $0x1  }
0xa7: {  	s23 =	simm.s32 $0x1B8B  }
0xa8: {  	_ =	swait.ge [sflag:s23], $0x1  }
0xa9: {  	[sflag:s23] =	ssyncset.done $0x0  }
0xaa: {  	s25 =	simm.s32 $0x1B8E;
	s24 =	sld [smem:$0x3FFE];
	[sflag:s23] =	ssyncadd.s32 $0xFFFFFFFF  }
0xab: {  	s26 =	simm.s32 $execute0_lowered;
	[smem:$0x3FD2] =	sst s25  }
0xac: {  	s6 =	sshll.u32 s26, $0x1;
	_ =	strace $0x80000046;
	[dreg:$0x1] =	wrdreg $0xFFFFFFFF  }
0xad: {  	s28 =	simm.s32 $_size_execute0_lowered;
	s4 =	sadd.s32 s4, s6;
	[dreg:$0x0] =	wrdreg $0x0  }
0xae: {  	s6 =	sshll.u32 s28, $0x1;
	[dreg:$0x2] =	wrdreg s4  }
0xaf: {  	[dreg:$0x3] =	wrdreg s6  }
0xb0: {  	[dreg:$0x4] =	wrdreg $0xC0  }
0xb1: {  	_ =	task [dreg:s8], $0x5FFFF  }
0xb2: {  	[dreg:$0x1] =	wrdreg $0xFFFFFFFF  }
0xb3: {  	[dreg:$0x0] =	wrdreg $0x60  }
0xb4: {  	[dreg:$0x2] =	wrdreg s15  }
0xb5: {  	[dreg:$0x3] =	wrdreg s24  }
0xb6: {  	[dreg:$0x4] =	wrdreg s16  }
0xb7: {  	[dreg:$0x5] =	wrdreg $0x9  }
0xb8: {  	_ =	task.clear_ibuf [dreg:s8], $0x6FFFF;
	_ =	strace $0x90000046  }
0xb9: {  	s29 =	simm.s32 $0x9;
	_ =	strace $0x80000048  }
0xba: {  	_ =	swait.ge [sflag:s29], $0x1  }
0xbb: {  	[sflag:s29] =	ssyncadd.s32 $0xFFFFFFFF  }
0xbc: {  	_ =	strace $0x90000048  }
0xbd: {  	_ =	sfence  }
0xbe: {  	s30 =	sld [smem:$0x0];
	_ =	sdelay $0x2  }
0xbf: {  	s31 =	sshll.u32 s1, $0xD;
	s1 =	sshrl.u32 s1, $0x2  }
0xc0: {  	s3 =	sand.u32 $0x4000, s31;
	s1 =	sadd.s32 s1, s30  }
0xc1: {  	s0 =	sor.u32 s3, s0;
	s1 =	sshll.u32 s1, $0x11  }
0xc2: {  	s0 =	sor.u32 s1, s0  }
0xc3: {  	s0 =	sadd.s32 $0x8F2B, s0  }
0xc4: {  	[sflag:s0] =	ssyncadd.remote.s32 $0x1  }
0xc5: {  	_ =	sfence.sel $0xFFFF  }
0xc6: {  	[dreg:$0x0] =	wrdreg $0xFFFFFFFF;
	(pc) =	sbr.abs _section_cstart, $3  }
0xc7: {  	[dreg:$0x1] =	wrdreg $0xFFFFFFFF  }
0xc8: {  	_ =	task.clear_ibuf [dreg:s8], $0x2FFFF;
	_ =	strace $0x9FFFFFFF  }
0xc9: {  	(tm) =	ssettm $0x7FFFFFFF  }
tec
execute0_lowered:
.L_overlay_start_1:
0x0: {  	(tag) =	ssettag $0x1  }
0x1: {  	s2 =	srdreg.scid  }
0x2: {  	s0 =	stileid.u32;
	s1 =	rddreg [dreg:$0x0]  }
0x3: {  	s4 =	rddreg [dreg:$0x1];
	s2 =	sand.u32 $0x1, s2;
	s3 =	sshll.u32 s0, $0x1  }
0x4: {  	s6 =	rddreg [dreg:$0x2];
	s5 =	sor.u32 s2, s3;
	s3 =	simm.s32 $0x0  }
0x5: {  	s14 =	simm.s32 $0x980;
	[smem:$0x7FF] =	sst s3  }
0x6: {  	s15 =	simm.s32 $0x1180;
	_ =	strace $0x80000047;
	[dreg:$0x8] =	wrdreg s14  }
0x7: {  	s16 =	simm.s32 $0x1980;
	[dreg:$0x9] =	wrdreg s15  }
0x8: {  	s17 =	simm.s32 $0x2180;
	s18 =	simm.s32 $0x2980;
	[dreg:$0xa] =	wrdreg s16  }
0x9: {  	s19 =	simm.s32 $0x3180;
	s20 =	simm.s32 $0x3980;
	[dreg:$0xb] =	wrdreg s17  }
0xa: {  	s21 =	simm.s32 $0x4180;
	s23 =	simm.s32 $0x4980;
	[dreg:$0xc] =	wrdreg s18  }
0xb: {  	s24 =	simm.s32 $0x5180;
	s25 =	simm.s32 $0x5980;
	[dreg:$0xd] =	wrdreg s19  }
0xc: {  	s26 =	simm.s32 $0x6980;
	s28 =	simm.s32 $0x10980;
	[dreg:$0xe] =	wrdreg s20  }
0xd: {  	s29 =	simm.s32 $0x11180;
	s30 =	simm.s32 $0x11980;
	[dreg:$0xf] =	wrdreg s21  }
0xe: {  	s31 =	simm.s32 $0x1;
	s7 =	smul.u32 $0x24, s5;
	[dreg:$0x10] =	wrdreg s23  }
0xf: {  	s2 =	ssub.s32 $0x2, s2;
	s8 =	smul.u32 $0x12000, s5;
	[dreg:$0x11] =	wrdreg s24  }
0x10: {  	s5 =	smul.u32 $0x2400, s5;
	s22 =	sshrl.u32 s2, $0x1;
	[dreg:$0x12] =	wrdreg s25  }
0x11: {  	s2 =	ssub.s32 s2, s22;
	[dreg:$0x13] =	wrdreg s26;
	s14 =	simm.s32 $0xA180  }
0x12: {  	s15 =	simm.s32 $0xA980;
	s16 =	simm.s32 $0xB180;
	s17 =	simm.s32 $0xB980  }
0x13: {  	s18 =	simm.s32 $0xC180;
	s19 =	simm.s32 $0xC980;
	s20 =	simm.s32 $0xD180  }
0x14: {  	s21 =	simm.s32 $0xD980;
	s22 =	simm.s32 $0xE180;
	s23 =	simm.s32 $0xE980  }
0x15: {  	s24 =	simm.s32 $0xF180;
	s25 =	simm.s32 $0xF980;
	s26 =	simm.s32 $0x10180  }
0x16: {  	s4 =	sadd.s32 s7, s4;
	s9 =	sshrl.u32 s8, $0x3;
	s10 =	sadd.s32 s6, s5  }
0x17: {  	s5 =	simm.s32 $0x3;
	s7 =	simm.s32 $0x6180;
	s4 =	sadd.s32 $0x800, s4  }
0x18: {  	s11 =	sadd.s32 s6, s9;
	[dreg:$0x5] =	wrdreg s10;
	s6 =	simm.s32 $0x180  }
0x19: {  	s9 =	simm.s32 $0x7980;
	s10 =	simm.s32 $0x8180;
	[dreg:$0x4] =	wrdreg s4  }
0x1a: {  	v2 =	vlaneseq.u32;
	s12 =	sadd.s32 $0xC00, s11;
	s13 =	sadd.s32 $0x1800, s11;
	s4 =	smax.u32 s2, $0x1  }
0x1b: {  	vm0 =	vmmov $0xffff;
	v1 =	vshrl.u32 v2, $0x3;
	s11 =	simm.s32 $0x8980;
	s2 =	simm.s32 $0x2;
	[dreg:$0x6] =	wrdreg s12  }
0x1c: {  	v0 =	vand.u32 $0x7, v2;
	v2 =	vor.u32 $0x8, v2;
	v1 =	vmul.u32 $0x8, v1;
	[dreg:$0x7] =	wrdreg s13;
	s12 =	simm.s32 $0x9180;
	s13 =	simm.s32 $0x9980  }
.LBB2_1:
0x1d: {  	s0 =	rddreg [dreg:$0x4]  }
0x1e: {  	[tilespmem:s3], [sflag:$0x3] =	stream.linear.gather [hbm4b:s0+s3], $0x120, $0x38;
	[tilespmem:$0x12180] =	vst v63  }
0x1f: {  	_ =	swait.ge [sflag:s5], $0x120  }
0x20: {  	[sflag:s5] =	ssyncset.done $0x0  }
0x21: {  	[sflag:s5] =	ssyncadd.s32 $0xFFFFFEE0  }
0x22: {  	v3 =	vld [tilespmem:$0x0];
	_ =	sdelay $0x4  }
0x23: {  	v4 =	vshll.u32 v3, $0x1  }
0x24: {  	v3 =	vand.u32 $0x7, v3;
	v4 =	vand.u32 $0xFFFFFFF0, v4  }
0x25: {  	v3 =	vor.u32 v3, v4  }
0x26: {  	v4 =	vperm.xlane v3, v0;
	_ =	sdelay $0x1  }
0x27: {  	v3 =	vperm.xlane v3, v2;
	v4 =	vadd.s32 v1, v4;
	_ =	sdelay $0x1  }
0x28: {  	v3 =	vadd.s32 v1, v3;
	_ =	sdelay $0x2  }
0x29: {  	[tilespmem:s6], [sflag:$0x1] =	stream.indirect_vreg.gather [hbm4b:s1+s3], $0x80, v4, vm0, $0xb8;
	[tilespmem:$0x12180] =	vst v63  }
0x2a: {  	s8 =	rddreg [dreg:$0x8]  }
0x2b: {  	[tilespmem:s8], [sflag:$0x1] =	stream.indirect_vreg.gather [hbm4b:s1+s3], $0x80, v3, vm0, $0xb8;
	[tilespmem:$0x12180] =	vst v63  }
0x2c: {  	v3 =	vld [tilespmem:$0x10];
	_ =	sdelay $0x4  }
0x2d: {  	v47 =	vshll.u32 v3, $0x1  }
0x2e: {  	v3 =	vand.u32 $0x7, v3;
	v4 =	vand.u32 $0xFFFFFFF0, v47  }
0x2f: {  	v3 =	vor.u32 v3, v4  }
0x30: {  	v4 =	vperm.xlane v3, v0;
	_ =	sdelay $0x1  }
0x31: {  	v3 =	vperm.xlane v3, v2;
	v4 =	vadd.s32 v1, v4;
	_ =	sdelay $0x1  }
0x32: {  	v3 =	vadd.s32 v1, v3;
	_ =	sdelay $0x1  }
0x33: {  	s0 =	rddreg [dreg:$0x9]  }
0x34: {  	[tilespmem:s0], [sflag:$0x1] =	stream.indirect_vreg.gather [hbm4b:s1+s3], $0x80, v4, vm0, $0xb8;
	[tilespmem:$0x12180] =	vst v63  }
0x35: {  	s8 =	rddreg [dreg:$0xa]  }
0x36: {  	[tilespmem:s8], [sflag:$0x1] =	stream.indirect_vreg.gather [hbm4b:s1+s3], $0x80, v3, vm0, $0xb8;
	[tilespmem:$0x12180] =	vst v63  }
0x37: {  	v3 =	vld [tilespmem:$0x20];
	_ =	sdelay $0x4  }
0x38: {  	v48 =	vshll.u32 v3, $0x1  }
0x39: {  	v3 =	vand.u32 $0x7, v3;
	v4 =	vand.u32 $0xFFFFFFF0, v48  }
0x3a: {  	v3 =	vor.u32 v3, v4  }
0x3b: {  	v4 =	vperm.xlane v3, v0;
	_ =	sdelay $0x1  }
0x3c: {  	v3 =	vperm.xlane v3, v2;
	v4 =	vadd.s32 v1, v4;
	_ =	sdelay $0x1  }
0x3d: {  	v3 =	vadd.s32 v1, v3;
	_ =	sdelay $0x1  }
0x3e: {  	s0 =	rddreg [dreg:$0xb]  }
0x3f: {  	[tilespmem:s0], [sflag:$0x1] =	stream.indirect_vreg.gather [hbm4b:s1+s3], $0x80, v4, vm0, $0xb8;
	[tilespmem:$0x12180] =	vst v63  }
0x40: {  	s8 =	rddreg [dreg:$0xc]  }
0x41: {  	[tilespmem:s8], [sflag:$0x1] =	stream.indirect_vreg.gather [hbm4b:s1+s3], $0x80, v3, vm0, $0xb8;
	[tilespmem:$0x12180] =	vst v63  }
0x42: {  	v3 =	vld [tilespmem:$0x30];
	_ =	sdelay $0x4  }
0x43: {  	v49 =	vshll.u32 v3, $0x1  }
0x44: {  	v3 =	vand.u32 $0x7, v3;
	v4 =	vand.u32 $0xFFFFFFF0, v49  }
0x45: {  	v3 =	vor.u32 v3, v4  }
0x46: {  	v4 =	vperm.xlane v3, v0;
	_ =	sdelay $0x1  }
0x47: {  	v3 =	vperm.xlane v3, v2;
	v4 =	vadd.s32 v1, v4;
	_ =	sdelay $0x1  }
0x48: {  	v3 =	vadd.s32 v1, v3;
	_ =	sdelay $0x1  }
0x49: {  	s0 =	rddreg [dreg:$0xd]  }
0x4a: {  	[tilespmem:s0], [sflag:$0x1] =	stream.indirect_vreg.gather [hbm4b:s1+s3], $0x80, v4, vm0, $0xb8;
	[tilespmem:$0x12180] =	vst v63  }
0x4b: {  	s8 =	rddreg [dreg:$0xe]  }
0x4c: {  	[tilespmem:s8], [sflag:$0x1] =	stream.indirect_vreg.gather [hbm4b:s1+s3], $0x80, v3, vm0, $0xb8;
	[tilespmem:$0x12180] =	vst v63  }
0x4d: {  	v3 =	vld [tilespmem:$0x40];
	_ =	sdelay $0x4  }
0x4e: {  	v50 =	vshll.u32 v3, $0x1  }
0x4f: {  	v3 =	vand.u32 $0x7, v3;
	v4 =	vand.u32 $0xFFFFFFF0, v50  }
0x50: {  	v3 =	vor.u32 v3, v4  }
0x51: {  	v4 =	vperm.xlane v3, v0;
	_ =	sdelay $0x1  }
0x52: {  	v3 =	vperm.xlane v3, v2;
	v4 =	vadd.s32 v1, v4;
	_ =	sdelay $0x1  }
0x53: {  	v3 =	vadd.s32 v1, v3;
	_ =	sdelay $0x1  }
0x54: {  	s0 =	rddreg [dreg:$0xf]  }
0x55: {  	[tilespmem:s0], [sflag:$0x1] =	stream.indirect_vreg.gather [hbm4b:s1+s3], $0x80, v4, vm0, $0xb8;
	[tilespmem:$0x12180] =	vst v63  }
0x56: {  	s8 =	rddreg [dreg:$0x10]  }
0x57: {  	[tilespmem:s8], [sflag:$0x1] =	stream.indirect_vreg.gather [hbm4b:s1+s3], $0x80, v3, vm0, $0xb8;
	[tilespmem:$0x12180] =	vst v63  }
0x58: {  	v3 =	vld [tilespmem:$0x50];
	_ =	sdelay $0x4  }
0x59: {  	v51 =	vshll.u32 v3, $0x1  }
0x5a: {  	v3 =	vand.u32 $0x7, v3;
	v4 =	vand.u32 $0xFFFFFFF0, v51  }
0x5b: {  	v3 =	vor.u32 v3, v4  }
0x5c: {  	v4 =	vperm.xlane v3, v0;
	_ =	sdelay $0x1  }
0x5d: {  	v3 =	vperm.xlane v3, v2;
	v4 =	vadd.s32 v1, v4;
	_ =	sdelay $0x1  }
0x5e: {  	v3 =	vadd.s32 v1, v3;
	_ =	sdelay $0x1  }
0x5f: {  	s0 =	rddreg [dreg:$0x11]  }
0x60: {  	[tilespmem:s0], [sflag:$0x1] =	stream.indirect_vreg.gather [hbm4b:s1+s3], $0x80, v4, vm0, $0xb8;
	[tilespmem:$0x12180] =	vst v63  }
0x61: {  	s8 =	rddreg [dreg:$0x12]  }
0x62: {  	[tilespmem:s8], [sflag:$0x1] =	stream.indirect_vreg.gather [hbm4b:s1+s3], $0x80, v3, vm0, $0xb8;
	[tilespmem:$0x12180] =	vst v63  }
0x63: {  	v3 =	vld [tilespmem:$0x60];
	_ =	sdelay $0x4  }
0x64: {  	v52 =	vshll.u32 v3, $0x1  }
0x65: {  	v3 =	vand.u32 $0x7, v3;
	v4 =	vand.u32 $0xFFFFFFF0, v52  }
0x66: {  	v3 =	vor.u32 v3, v4  }
0x67: {  	v4 =	vperm.xlane v3, v0;
	_ =	sdelay $0x1  }
0x68: {  	v3 =	vperm.xlane v3, v2;
	v4 =	vadd.s32 v1, v4;
	_ =	sdelay $0x1  }
0x69: {  	v3 =	vadd.s32 v1, v3;
	_ =	sdelay $0x2  }
0x6a: {  	[tilespmem:s7], [sflag:$0x1] =	stream.indirect_vreg.gather [hbm4b:s1+s3], $0x80, v4, vm0, $0xb8;
	[tilespmem:$0x12180] =	vst v63  }
0x6b: {  	s8 =	rddreg [dreg:$0x13]  }
0x6c: {  	[tilespmem:s8], [sflag:$0x1] =	stream.indirect_vreg.gather [hbm4b:s1+s3], $0x80, v3, vm0, $0xb8;
	[tilespmem:$0x12180] =	vst v63  }
0x6d: {  	v3 =	vld [tilespmem:$0x70];
	_ =	sdelay $0x4  }
0x6e: {  	v53 =	vshll.u32 v3, $0x1  }
0x6f: {  	v3 =	vand.u32 $0x7, v3;
	v4 =	vand.u32 $0xFFFFFFF0, v53  }
0x70: {  	v3 =	vor.u32 v3, v4  }
0x71: {  	v4 =	vperm.xlane v3, v0;
	_ =	sdelay $0x1  }
0x72: {  	v3 =	vperm.xlane v3, v2;
	v4 =	vadd.s32 v1, v4;
	_ =	sdelay $0x1  }
0x73: {  	v3 =	vadd.s32 v1, v3;
	_ =	sdelay $0x1  }
0x74: {  	s8 =	simm.s32 $0x7180  }
0x75: {  	[tilespmem:s8], [sflag:$0x1] =	stream.indirect_vreg.gather [hbm4b:s1+s3], $0x80, v4, vm0, $0xb8;
	[tilespmem:$0x12180] =	vst v63  }
0x76: {  	_ = 	snop  }
0x77: {  	[tilespmem:s9], [sflag:$0x1] =	stream.indirect_vreg.gather [hbm4b:s1+s3], $0x80, v3, vm0, $0xb8;
	[tilespmem:$0x12180] =	vst v63  }
0x78: {  	v3 =	vld [tilespmem:$0x80];
	_ =	sdelay $0x4  }
0x79: {  	v54 =	vshll.u32 v3, $0x1  }
0x7a: {  	v3 =	vand.u32 $0x7, v3;
	v4 =	vand.u32 $0xFFFFFFF0, v54  }
0x7b: {  	v3 =	vor.u32 v3, v4  }
0x7c: {  	v4 =	vperm.xlane v3, v0;
	_ =	sdelay $0x1  }
0x7d: {  	v3 =	vperm.xlane v3, v2;
	v4 =	vadd.s32 v1, v4;
	_ =	sdelay $0x1  }
0x7e: {  	v3 =	vadd.s32 v1, v3;
	_ =	sdelay $0x2  }
0x7f: {  	[tilespmem:s10], [sflag:$0x1] =	stream.indirect_vreg.gather [hbm4b:s1+s3], $0x80, v4, vm0, $0xb8;
	[tilespmem:$0x12180] =	vst v63  }
0x80: {  	_ = 	snop  }
0x81: {  	[tilespmem:s11], [sflag:$0x1] =	stream.indirect_vreg.gather [hbm4b:s1+s3], $0x80, v3, vm0, $0xb8;
	[tilespmem:$0x12180] =	vst v63  }
0x82: {  	v3 =	vld [tilespmem:$0x90];
	_ =	sdelay $0x4  }
0x83: {  	v55 =	vshll.u32 v3, $0x1  }
0x84: {  	v3 =	vand.u32 $0x7, v3;
	v4 =	vand.u32 $0xFFFFFFF0, v55  }
0x85: {  	v3 =	vor.u32 v3, v4  }
0x86: {  	v4 =	vperm.xlane v3, v0;
	_ =	sdelay $0x1  }
0x87: {  	v3 =	vperm.xlane v3, v2;
	v4 =	vadd.s32 v1, v4;
	_ =	sdelay $0x1  }
0x88: {  	v3 =	vadd.s32 v1, v3;
	_ =	sdelay $0x2  }
0x89: {  	[tilespmem:s12], [sflag:$0x1] =	stream.indirect_vreg.gather [hbm4b:s1+s3], $0x80, v4, vm0, $0xb8;
	[tilespmem:$0x12180] =	vst v63  }
0x8a: {  	_ = 	snop  }
0x8b: {  	[tilespmem:s13], [sflag:$0x1] =	stream.indirect_vreg.gather [hbm4b:s1+s3], $0x80, v3, vm0, $0xb8;
	[tilespmem:$0x12180] =	vst v63  }
0x8c: {  	v3 =	vld [tilespmem:$0xA0];
	_ =	sdelay $0x4  }
0x8d: {  	v56 =	vshll.u32 v3, $0x1  }
0x8e: {  	v3 =	vand.u32 $0x7, v3;
	v4 =	vand.u32 $0xFFFFFFF0, v56  }
0x8f: {  	v3 =	vor.u32 v3, v4  }
0x90: {  	v4 =	vperm.xlane v3, v0;
	_ =	sdelay $0x1  }
0x91: {  	v3 =	vperm.xlane v3, v2;
	v4 =	vadd.s32 v1, v4;
	_ =	sdelay $0x1  }
0x92: {  	v3 =	vadd.s32 v1, v3;
	_ =	sdelay $0x2  }
0x93: {  	[tilespmem:s14], [sflag:$0x1] =	stream.indirect_vreg.gather [hbm4b:s1+s3], $0x80, v4, vm0, $0xb8;
	[tilespmem:$0x12180] =	vst v63  }
0x94: {  	_ = 	snop  }
0x95: {  	[tilespmem:s15], [sflag:$0x1] =	stream.indirect_vreg.gather [hbm4b:s1+s3], $0x80, v3, vm0, $0xb8;
	[tilespmem:$0x12180] =	vst v63  }
0x96: {  	v3 =	vld [tilespmem:$0xB0];
	_ =	sdelay $0x4  }
0x97: {  	v57 =	vshll.u32 v3, $0x1  }
0x98: {  	v3 =	vand.u32 $0x7, v3;
	v4 =	vand.u32 $0xFFFFFFF0, v57  }
0x99: {  	v3 =	vor.u32 v3, v4  }
0x9a: {  	v4 =	vperm.xlane v3, v0;
	_ =	sdelay $0x1  }
0x9b: {  	v3 =	vperm.xlane v3, v2;
	v4 =	vadd.s32 v1, v4;
	_ =	sdelay $0x1  }
0x9c: {  	v3 =	vadd.s32 v1, v3;
	_ =	sdelay $0x2  }
0x9d: {  	[tilespmem:s16], [sflag:$0x1] =	stream.indirect_vreg.gather [hbm4b:s1+s3], $0x80, v4, vm0, $0xb8;
	[tilespmem:$0x12180] =	vst v63  }
0x9e: {  	_ = 	snop  }
0x9f: {  	[tilespmem:s17], [sflag:$0x1] =	stream.indirect_vreg.gather [hbm4b:s1+s3], $0x80, v3, vm0, $0xb8;
	[tilespmem:$0x12180] =	vst v63  }
0xa0: {  	v3 =	vld [tilespmem:$0xC0];
	_ =	sdelay $0x4  }
0xa1: {  	v58 =	vshll.u32 v3, $0x1  }
0xa2: {  	v3 =	vand.u32 $0x7, v3;
	v4 =	vand.u32 $0xFFFFFFF0, v58  }
0xa3: {  	v3 =	vor.u32 v3, v4  }
0xa4: {  	v4 =	vperm.xlane v3, v0;
	_ =	sdelay $0x1  }
0xa5: {  	v3 =	vperm.xlane v3, v2;
	v4 =	vadd.s32 v1, v4;
	_ =	sdelay $0x1  }
0xa6: {  	v3 =	vadd.s32 v1, v3;
	_ =	sdelay $0x2  }
0xa7: {  	[tilespmem:s18], [sflag:$0x1] =	stream.indirect_vreg.gather [hbm4b:s1+s3], $0x80, v4, vm0, $0xb8;
	[tilespmem:$0x12180] =	vst v63  }
0xa8: {  	_ = 	snop  }
0xa9: {  	[tilespmem:s19], [sflag:$0x1] =	stream.indirect_vreg.gather [hbm4b:s1+s3], $0x80, v3, vm0, $0xb8;
	[tilespmem:$0x12180] =	vst v63  }
0xaa: {  	v3 =	vld [tilespmem:$0xD0];
	_ =	sdelay $0x4  }
0xab: {  	v59 =	vshll.u32 v3, $0x1  }
0xac: {  	v3 =	vand.u32 $0x7, v3;
	v4 =	vand.u32 $0xFFFFFFF0, v59  }
0xad: {  	v3 =	vor.u32 v3, v4  }
0xae: {  	v4 =	vperm.xlane v3, v0;
	_ =	sdelay $0x1  }
0xaf: {  	v3 =	vperm.xlane v3, v2;
	v4 =	vadd.s32 v1, v4;
	_ =	sdelay $0x1  }
0xb0: {  	v3 =	vadd.s32 v1, v3;
	_ =	sdelay $0x2  }
0xb1: {  	[tilespmem:s20], [sflag:$0x1] =	stream.indirect_vreg.gather [hbm4b:s1+s3], $0x80, v4, vm0, $0xb8;
	[tilespmem:$0x12180] =	vst v63  }
0xb2: {  	_ = 	snop  }
0xb3: {  	[tilespmem:s21], [sflag:$0x1] =	stream.indirect_vreg.gather [hbm4b:s1+s3], $0x80, v3, vm0, $0xb8;
	[tilespmem:$0x12180] =	vst v63  }
0xb4: {  	v3 =	vld [tilespmem:$0xE0];
	_ =	sdelay $0x4  }
0xb5: {  	v60 =	vshll.u32 v3, $0x1  }
0xb6: {  	v3 =	vand.u32 $0x7, v3;
	v4 =	vand.u32 $0xFFFFFFF0, v60  }
0xb7: {  	v3 =	vor.u32 v3, v4  }
0xb8: {  	v4 =	vperm.xlane v3, v0;
	_ =	sdelay $0x1  }
0xb9: {  	v3 =	vperm.xlane v3, v2;
	v4 =	vadd.s32 v1, v4;
	_ =	sdelay $0x1  }
0xba: {  	v3 =	vadd.s32 v1, v3;
	_ =	sdelay $0x2  }
0xbb: {  	[tilespmem:s22], [sflag:$0x1] =	stream.indirect_vreg.gather [hbm4b:s1+s3], $0x80, v4, vm0, $0xb8;
	[tilespmem:$0x12180] =	vst v63  }
0xbc: {  	_ = 	snop  }
0xbd: {  	[tilespmem:s23], [sflag:$0x1] =	stream.indirect_vreg.gather [hbm4b:s1+s3], $0x80, v3, vm0, $0xb8;
	[tilespmem:$0x12180] =	vst v63  }
0xbe: {  	v3 =	vld [tilespmem:$0xF0];
	_ =	sdelay $0x4  }
0xbf: {  	v61 =	vshll.u32 v3, $0x1  }
0xc0: {  	v3 =	vand.u32 $0x7, v3;
	v4 =	vand.u32 $0xFFFFFFF0, v61  }
0xc1: {  	v3 =	vor.u32 v3, v4  }
0xc2: {  	v4 =	vperm.xlane v3, v0;
	_ =	sdelay $0x1  }
0xc3: {  	v3 =	vperm.xlane v3, v2;
	v4 =	vadd.s32 v1, v4;
	_ =	sdelay $0x1  }
0xc4: {  	v3 =	vadd.s32 v1, v3;
	_ =	sdelay $0x2  }
0xc5: {  	[tilespmem:s24], [sflag:$0x1] =	stream.indirect_vreg.gather [hbm4b:s1+s3], $0x80, v4, vm0, $0xb8;
	[tilespmem:$0x12180] =	vst v63  }
0xc6: {  	_ = 	snop  }
0xc7: {  	[tilespmem:s25], [sflag:$0x1] =	stream.indirect_vreg.gather [hbm4b:s1+s3], $0x80, v3, vm0, $0xb8;
	[tilespmem:$0x12180] =	vst v63  }
0xc8: {  	v3 =	vld [tilespmem:$0x100];
	_ =	sdelay $0x4  }
0xc9: {  	v62 =	vshll.u32 v3, $0x1  }
0xca: {  	v3 =	vand.u32 $0x7, v3;
	v4 =	vand.u32 $0xFFFFFFF0, v62  }
0xcb: {  	v3 =	vor.u32 v3, v4  }
0xcc: {  	v4 =	vperm.xlane v3, v0;
	_ =	sdelay $0x1  }
0xcd: {  	v3 =	vperm.xlane v3, v2;
	v4 =	vadd.s32 v1, v4;
	_ =	sdelay $0x1  }
0xce: {  	v3 =	vadd.s32 v1, v3;
	_ =	sdelay $0x2  }
0xcf: {  	[tilespmem:s26], [sflag:$0x1] =	stream.indirect_vreg.gather [hbm4b:s1+s3], $0x80, v4, vm0, $0xb8;
	[tilespmem:$0x12180] =	vst v63  }
0xd0: {  	_ = 	snop  }
0xd1: {  	[tilespmem:s28], [sflag:$0x1] =	stream.indirect_vreg.gather [hbm4b:s1+s3], $0x80, v3, vm0, $0xb8;
	[tilespmem:$0x12180] =	vst v63  }
0xd2: {  	v3 =	vld [tilespmem:$0x110];
	_ =	sdelay $0x4  }
0xd3: {  	v63 =	vshll.u32 v3, $0x1  }
0xd4: {  	v3 =	vand.u32 $0x7, v3;
	v4 =	vand.u32 $0xFFFFFFF0, v63  }
0xd5: {  	v3 =	vor.u32 v3, v4  }
0xd6: {  	v4 =	vperm.xlane v3, v0;
	_ =	sdelay $0x1  }
0xd7: {  	v3 =	vperm.xlane v3, v2;
	v4 =	vadd.s32 v1, v4;
	_ =	sdelay $0x1  }
0xd8: {  	v3 =	vadd.s32 v1, v3;
	_ =	sdelay $0x2  }
0xd9: {  	[tilespmem:s29], [sflag:$0x1] =	stream.indirect_vreg.gather [hbm4b:s1+s3], $0x80, v4, vm0, $0xb8;
	[tilespmem:$0x12180] =	vst v63  }
0xda: {  	_ = 	snop  }
0xdb: {  	[tilespmem:s30], [sflag:$0x1] =	stream.indirect_vreg.gather [hbm4b:s1+s3], $0x80, v3, vm0, $0xb8;
	[tilespmem:$0x12180] =	vst v63  }
0xdc: {  	_ =	swait.ge [sflag:s31], $0x6000  }
0xdd: {  	[sflag:s31] =	ssyncset.done $0x0  }
0xde: {  	s8 =	rddreg [dreg:$0x5];
	[sflag:s31] =	ssyncadd.s32 $0xFFFFA000  }
0xdf: {  	[hbm4b:s8+s3] =	stream.linear.scatter [tilespmem:s6], [sflag:$0x2], $0x6000, $0x38;
	[tilespmem:$0x12180] =	vst v63  }
0xe0: {  	_ =	swait.ge [sflag:s31], $0x6000  }
0xe1: {  	[sflag:s31] =	ssyncset.done $0x0  }
0xe2: {  	s8 =	rddreg [dreg:$0x6];
	[sflag:s31] =	ssyncadd.s32 $0xFFFFA000  }
0xe3: {  	[hbm4b:s8+s3] =	stream.linear.scatter [tilespmem:s7], [sflag:$0x2], $0x6000, $0x38;
	[tilespmem:$0x12180] =	vst v63  }
0xe4: {  	_ =	swait.ge [sflag:s31], $0x6000  }
0xe5: {  	[sflag:s31] =	ssyncset.done $0x0  }
0xe6: {  	s8 =	rddreg [dreg:$0x7];
	[sflag:s31] =	ssyncadd.s32 $0xFFFFA000  }
0xe7: {  	[hbm4b:s8+s3] =	stream.linear.scatter [tilespmem:s18], [sflag:$0x2], $0x6000, $0x38;
	[tilespmem:$0x12180] =	vst v63  }
0xe8: {  	_ =	swait.ge [sflag:s2], $0x6000  }
0xe9: {  	[sflag:s2] =	ssyncset.done $0x0  }
0xea: {  	[sflag:s2] =	ssyncadd.s32 $0xFFFFA000  }
0xeb: {  	p0 =	sne.s32 s4, $0x1;
	_ =	swait.ge [sflag:s2], $0x6000  }
.Ltmp0:
0xec: {  	[sflag:s2] =	ssyncset.done $0x0;
	(pc) =	sbr.rel @p0 .LBB2_1-.Ltmp0, $4  }
0xed: {  	[sflag:s2] =	ssyncadd.s32 $0xFFFFA000  }
0xee: {  	_ =	swait.ge [sflag:s2], $0x6000  }
0xef: {  	[sflag:s2] =	ssyncset.done $0x0  }
0xf0: {  	s4 =	sadd.s32 $0xFFFFFFFF, s4;
	[sflag:s2] =	ssyncadd.s32 $0xFFFFA000  }
0xf1: {  	_ =	sfence.sel $0x180000  }
0xf2: {  	[bflag:$0x0] =	sbarrier.arrive $0xFFFF  }
0xf3: {  	_ =	strace $0x90000047  }
0xf4: {  	s0 =	stileid.u32;
	[bflag:$0x2] =	sbarrier.arrive $0xFFFF  }
0xf5: {  	p0 =	sne.s32 s0, $0x0;
	s0 =	rddreg [dreg:$0x3]  }
0xf6: {  	s0 =	sadd.s32 @!p0 $0x100000, s0  }
0xf7: {  	[sflag:s0] =	ssyncadd.tile.s32 @!p0 $0x1;
	_ =	shalt  }
.Lfunc_end2:
_tile_overlayer_lowered:
.L_overlay_start_2:
0xf8: {  	(tag) =	ssettag $0x2  }
0xf9: {  	s0 =	rddreg [dreg:$0x0];
	s2 =	stileid.u32  }
0xfa: {  	s1 =	rddreg [dreg:$0x1];
	p0 =	sne.s32 s2, $0x0  }
0xfb: {  	s3 =	rddreg [dreg:$0x2];
	[bflag:$0x3] =	sbarrier.arrive $0xFFFF;
	s2 =	simm.s32 @!p0 $0x1C03  }
0xfc: {  	[timem:s3], [sflag:s2] =	dma.local @!p0 [hbm:s0], s1  }
0xfd: {  	s0 =	simm.s32 @!p0 $0x3  }
0xfe: {  	_ =	swait.ge @!p0 [sflag:s0], s1  }
0xff: {  	s1 =	ssub.s32 @!p0 $0x0, s1;
	[sflag:s0] =	ssyncset.done @!p0 $0x0  }
0x100: {  	[sflag:s0] =	ssyncadd.s32 @!p0 s1  }
0x101: {  	[bflag:$0x3] =	sbarrier.arrive $0xFFFF  }
0x102: {  	_ =	shalt  }

</sc_bundles>
